<compile_context>
chip_gen: v7x
topology: tpu7x:2x2x1
jax: 0.10.2.dev20260603
libtpu: 0.0.44.dev20260713+nightly
codegen_flags: <defaults>
</compile_context>

<pallas_src>
import functools
import jax
import jax.numpy as jnp
from jax import lax
from jax.experimental import pallas as pl
from jax.experimental.pallas import tpu as pltpu
from jax.experimental.pallas import tpu_sc as plsc

_N = 50000
_NP = 50048
_E = 800000
_D = 64
_H = _D // 2
_NS = 16
_EPS = _E // _NS
_K = 400
_CH = _EPS // _K
_RPS = _NP // _NS


def _zero_acc(zero_hbm, acc, s):
    r0 = s * _RPS
    pltpu.sync_copy(zero_hbm.at[pl.ds(r0, _RPS)], acc.at[pl.ds(r0, _RPS)])
    plsc.subcore_barrier()
    return r0


def _flush_acc(acc, out_hbm, c, r0):
    plsc.subcore_barrier()
    pltpu.sync_copy(acc.at[pl.ds(r0, _RPS)],
                    out_hbm.at[pl.ds(c * _NP + r0, _RPS)])


def _agg_kernel(w_hbm, edge_hbm, zero_hbm, out_hbm,
                from0, to0, gidx0, rows0,
                from1, to1, gidx1, rows1,
                acc, gsem0, gsem1, isem0, isem1):
    c = lax.axis_index("c")
    s = lax.axis_index("s")
    r0 = _zero_acc(zero_hbm, acc, s)

    coff_v = jnp.full((16,), c * _NP, dtype=jnp.int32)
    base_e = s * _EPS
    pairs = (_CH - 1) // 2

    def issue_idx(off, from_v, to_v, isem):
        pltpu.async_copy(edge_hbm.at[pl.ds(off, _K)], from_v, isem)
        pltpu.async_copy(edge_hbm.at[pl.ds(_E + off, _K)], to_v, isem)

    def wait_idx(off, from_v, to_v, isem):
        pltpu.make_async_copy(edge_hbm.at[pl.ds(off, _K)], from_v, isem).wait()
        pltpu.make_async_copy(edge_hbm.at[pl.ds(_E + off, _K)], to_v,
                              isem).wait()

    def compute_gidx(from_v, gidx_v):
        def idx_body(j, _):
            gidx_v[pl.ds(j * 16, 16)] = from_v[pl.ds(j * 16, 16)] + coff_v
            return 0

        lax.fori_loop(0, _K // 16, idx_body, 0)

    pltpu.sync_copy(edge_hbm.at[pl.ds(base_e, _K)], from0)
    pltpu.sync_copy(edge_hbm.at[pl.ds(_E + base_e, _K)], to0)
    compute_gidx(from0, gidx0)
    pltpu.async_copy(w_hbm.at[gidx0], rows0, gsem0)
    issue_idx(base_e + _K, from1, to1, isem1)

    def pair_body(t, _):
        a = base_e + (2 * t + 1) * _K
        b = a + _K
        wait_idx(a, from1, to1, isem1)
        compute_gidx(from1, gidx1)
        pltpu.make_async_copy(w_hbm.at[gidx0], rows0, gsem0).wait()
        pltpu.async_copy(w_hbm.at[gidx1], rows1, gsem1)
        pltpu.sync_copy(rows0, acc.at[to0], add=True)
        issue_idx(b, from0, to0, isem0)
        wait_idx(b, from0, to0, isem0)
        compute_gidx(from0, gidx0)
        pltpu.make_async_copy(w_hbm.at[gidx1], rows1, gsem1).wait()
        pltpu.async_copy(w_hbm.at[gidx0], rows0, gsem0)
        pltpu.sync_copy(rows1, acc.at[to1], add=True)

        @pl.when(t < pairs - 1)
        def _():
            issue_idx(b + _K, from1, to1, isem1)

        return 0

    lax.fori_loop(0, pairs, pair_body, 0)

    pltpu.make_async_copy(w_hbm.at[gidx0], rows0, gsem0).wait()
    pltpu.sync_copy(rows0, acc.at[to0], add=True)

    _flush_acc(acc, out_hbm, c, r0)


def _deg_kernel(edge_hbm, zero_hbm, ones_hbm, out_hbm,
                to_v, ones_v, acc):
    c = lax.axis_index("c")
    s = lax.axis_index("s")
    r0 = _zero_acc(zero_hbm, acc, s)

    pltpu.sync_copy(ones_hbm, ones_v)
    base_e = s * _EPS

    def chunk_body(i, _):
        pltpu.sync_copy(edge_hbm.at[pl.ds(_E + base_e + i * _K, _K)], to_v)
        pltpu.sync_copy(ones_v, acc.at[to_v], add=True)
        return 0

    lax.fori_loop(0, _CH, chunk_body, 0)
    _flush_acc(acc, out_hbm, c, r0)


@jax.jit
def _aggregate(w_stack, edge_flat, zeros_half):
    mesh = plsc.VectorSubcoreMesh(core_axis_name="c", subcore_axis_name="s")
    kern = functools.partial(
        pl.kernel,
        mesh=mesh,
        out_type=jax.ShapeDtypeStruct((2 * _NP, _H), jnp.float32),
        scratch_types=[
            pltpu.VMEM((_K,), jnp.int32),
            pltpu.VMEM((_K,), jnp.int32),
            pltpu.VMEM((_K,), jnp.int32),
            pltpu.VMEM((_K, _H), jnp.float32),
            pltpu.VMEM((_K,), jnp.int32),
            pltpu.VMEM((_K,), jnp.int32),
            pltpu.VMEM((_K,), jnp.int32),
            pltpu.VMEM((_K, _H), jnp.float32),
            pltpu.VMEM_SHARED((_NP, _H), jnp.float32),
            pltpu.SemaphoreType.DMA,
            pltpu.SemaphoreType.DMA,
            pltpu.SemaphoreType.DMA,
            pltpu.SemaphoreType.DMA,
        ],
        compiler_params=pltpu.CompilerParams(use_tc_tiling_on_sc=False),
    )(_agg_kernel)
    return kern(w_stack, edge_flat, zeros_half)


@jax.jit
def _degrees(edge_flat, zeros_half, ones_chunk):
    mesh = plsc.VectorSubcoreMesh(core_axis_name="c", subcore_axis_name="s")
    kern = functools.partial(
        pl.kernel,
        mesh=mesh,
        out_type=jax.ShapeDtypeStruct((2 * _NP, _H), jnp.float32),
        scratch_types=[
            pltpu.VMEM((_K,), jnp.int32),
            pltpu.VMEM((_K, _H), jnp.float32),
            pltpu.VMEM_SHARED((_NP, _H), jnp.float32),
        ],
        compiler_params=pltpu.CompilerParams(use_tc_tiling_on_sc=False),
    )(_deg_kernel)
    return kern(edge_flat, zeros_half, ones_chunk)


def kernel(emb_table, edge_attrs, scale, edge_index):
    del edge_attrs, scale
    x0 = emb_table.astype(jnp.float32)
    zeros_half = jnp.zeros((_NP, _H), jnp.float32)
    edge_flat = edge_index.reshape(-1)

    ones_chunk = jnp.ones((_K, _H), jnp.float32)
    deg = _degrees(edge_flat, zeros_half, ones_chunk)[:_N, 0]
    dis = jnp.where(deg > 0, lax.rsqrt(deg), 0.0)
    dis_p = jnp.concatenate([dis, jnp.zeros((_NP - _N,), jnp.float32)])
    dis_st = jnp.concatenate([dis_p, dis_p])[:, None]

    pad = jnp.zeros((_NP - _N, _H), jnp.float32)

    def stack(y):
        return jnp.concatenate([y[:_N, :_H], pad, y[:_N, _H:], pad], axis=0)

    w = stack(dis[:, None] * x0)
    acc_st = jnp.zeros((2 * _NP, _H), jnp.float32)
    for _ in range(3):
        z = _aggregate(w, edge_flat, zeros_half)
        x_st = dis_st * z
        acc_st = acc_st + x_st
        w = dis_st * x_st

    acc = jnp.concatenate([acc_st[:_N], acc_st[_NP:_NP + _N]], axis=1)
    return (x0 + acc) * jnp.float32(0.25)

# --- scband reference (transcript-rebuilt; emitter-appended) ---
"""Pipeline reference for scband-rec-sys-gnn-25142738551261 (READ-ONLY COPY).

The authoritative reference and input builder live on the scoring server;
editing this copy changes nothing except your own understanding.
"""

import jax, jax.numpy as jnp
import numpy as np

N_USERS = 25000
N_ITEMS = 25000
N_NODES = N_USERS + N_ITEMS
E = 800000
EMB_DIM = 64
N_LAYERS = 3


def setup_inputs(seed: int = 0) -> dict:
    key = jax.random.key(seed)
    k1, k2, k3 = jax.random.split(key, 3)
    edge_index = jax.random.randint(k1, (2, E), 0, N_NODES, dtype=jnp.int32)
    edge_attrs = jax.random.uniform(k2, (E,), dtype=jnp.float32)
    # nn.Embedding weight (normal init, as torch default for Embedding)
    emb_table = jax.random.normal(k3, (N_NODES, EMB_DIM), dtype=jnp.float32)
    scale = jnp.float32(1.0)
    return {"emb_table": emb_table, "edge_attrs": edge_attrs, "scale": scale, "edge_index": edge_index}


def reference(emb_table, edge_attrs, scale, edge_index):
    # RecSysGNN with model='lightGCN': stack of lightGCN propagation layers over
    # the user+item embedding table; output is the layer-averaged embedding
    # (standard LightGCN readout). edge_attrs and scale are unused by lightGCN.
    from_ = edge_index[0]
    to_ = edge_index[1]
    # degree of destination nodes (dtype = x.dtype)
    deg = jax.ops.segment_sum(jnp.ones((E,), dtype=emb_table.dtype), to_, num_segments=N_NODES)
    deg_inv_sqrt = jnp.where(deg > 0, deg ** -0.5, 0.0)  # inf -> 0
    norm = deg_inv_sqrt[from_] * deg_inv_sqrt[to_]
    x = emb_table
    embs = [x]
    for _ in range(N_LAYERS):
        msg = norm[:, None] * jnp.take(x, from_, axis=0)  # message: norm * x_j
        x = jax.ops.segment_sum(msg, to_, num_segments=N_NODES)  # aggr='add'
        embs.append(x)
    out = jnp.mean(jnp.stack(embs, axis=0), axis=0)
    return out

if __name__ == "__main__":
    import jax
    _d = setup_inputs()
    print(jax.jit(kernel)(*tuple(_d.values())))

</pallas_src>

<mosaic_0001>
#map = affine_map<(d0, d1) -> (0)>
#map1 = affine_map<(d0, d1) -> (0, 0)>
module attributes {stable_mosaic.version = 14 : i64} {
  func.func @_deg_kernel(%arg0: i32, %arg1: i32, %arg2: memref<1600000xi32, #tpu.memory_space<hbm>>, %arg3: memref<50048x32xf32, #tpu.memory_space<hbm>>, %arg4: memref<400x32xf32, #tpu.memory_space<hbm>>, %arg5: memref<100096x32xf32, #tpu.memory_space<hbm>>, %arg6: memref<400xi32, #tpu.memory_space<vmem>>, %arg7: memref<400x32xf32, #tpu.memory_space<vmem>>, %arg8: memref<50048x32xf32, #tpu.memory_space<vmem_shared>>) attributes {dimension_semantics = [#tpu.dimension_semantics<core_parallel>, #tpu.dimension_semantics<subcore_parallel>], iteration_bounds = array<i64: 2, 16>, scalar_prefetch = 0 : i64, scratch_operands = 3 : i64, tpu.core_type = #tpu.core_type<sc_vector_subcore>, window_params = [{transform_indices = #map}, {transform_indices = #map1}, {transform_indices = #map1}, {transform_indices = #map1}]} {
    %mul3A = arith.constant 3128 : i32
    %mul3A_0 = arith.muli %arg1, %mul3A : i32
    "tpu.region"() ({
      %run_scoped3A = tpu.sem_alloc : memref<!tpu.dma_semaphore, #tpu.memory_space<semaphore_mem>>
      %dma_start3A = arith.constant 0 : i32
      %dma_start3A_12 = tpu.memref_slice %arg8[%mul3A_0, %dma_start3A] : memref<50048x32xf32, #tpu.memory_space<vmem_shared>> -> memref<3128x32xf32, #tpu.memory_space<vmem_shared>>
      %dma_start3A_13 = arith.constant 0 : i32
      %dma_start3A_14 = tpu.memref_slice %arg3[%mul3A_0, %dma_start3A_13] : memref<50048x32xf32, #tpu.memory_space<hbm>> -> memref<3128x32xf32, #tpu.memory_space<hbm>>
      tpu.enqueue_dma source(%dma_start3A_14 : memref<3128x32xf32, #tpu.memory_space<hbm>>) target(%dma_start3A_12 : memref<3128x32xf32, #tpu.memory_space<vmem_shared>>) target_semaphore(%run_scoped3A : memref<!tpu.dma_semaphore, #tpu.memory_space<semaphore_mem>>)
      %dma_wait3A = arith.constant 0 : i32
      %dma_wait3A_15 = tpu.memref_slice %arg8[%mul3A_0, %dma_wait3A] : memref<50048x32xf32, #tpu.memory_space<vmem_shared>> -> memref<3128x32xf32, #tpu.memory_space<vmem_shared>>
      %dma_wait3A_16 = arith.constant 0 : i32
      %dma_wait3A_17 = tpu.memref_slice %arg3[%mul3A_0, %dma_wait3A_16] : memref<50048x32xf32, #tpu.memory_space<hbm>> -> memref<3128x32xf32, #tpu.memory_space<hbm>>
      tpu.wait_dma2 semaphore(%run_scoped3A : memref<!tpu.dma_semaphore, #tpu.memory_space<semaphore_mem>>) src(%dma_wait3A_17 : memref<3128x32xf32, #tpu.memory_space<hbm>>) dst(%dma_wait3A_15 : memref<3128x32xf32, #tpu.memory_space<vmem_shared>>)
      tpu.yield
    }) : () -> ()
    %barrier3A = arith.constant 0 : index
    tpu.barrier barrier_id(%barrier3A)
    "tpu.region"() ({
      %run_scoped3A = tpu.sem_alloc : memref<!tpu.dma_semaphore, #tpu.memory_space<semaphore_mem>>
      tpu.enqueue_dma source(%arg4 : memref<400x32xf32, #tpu.memory_space<hbm>>) target(%arg7 : memref<400x32xf32, #tpu.memory_space<vmem>>) target_semaphore(%run_scoped3A : memref<!tpu.dma_semaphore, #tpu.memory_space<semaphore_mem>>)
      tpu.wait_dma2 semaphore(%run_scoped3A : memref<!tpu.dma_semaphore, #tpu.memory_space<semaphore_mem>>) src(%arg4 : memref<400x32xf32, #tpu.memory_space<hbm>>) dst(%arg7 : memref<400x32xf32, #tpu.memory_space<vmem>>)
      tpu.yield
    }) : () -> ()
    %mul3A_1 = arith.constant 50000 : i32
    %mul3A_2 = arith.muli %arg1, %mul3A_1 : i32
    %scan3A = arith.constant 0 : i32
    %scan3A_3 = arith.constant 0 : i32
    %scan3A_4 = arith.constant 125 : i32
    %scan3A_5 = arith.addi %scan3A_3, %scan3A_4 : i32
    %scan3A_6 = arith.constant 1 : i32
    %scan3A_7 = scf.for %scan3A_12 = %scan3A_3 to %scan3A_5 step %scan3A_6 iter_args(%scan3A_13 = %scan3A) -> (i32)  : i32 {
      %add3A_14 = arith.constant 800000 : i32
      %add3A_15 = arith.addi %add3A_14, %mul3A_2 : i32
      %mul3A_16 = arith.constant 400 : i32
      %mul3A_17 = arith.muli %scan3A_12, %mul3A_16 : i32
      %add3A_18 = arith.addi %add3A_15, %mul3A_17 : i32
      "tpu.region"() ({
        %run_scoped3A = tpu.sem_alloc : memref<!tpu.dma_semaphore, #tpu.memory_space<semaphore_mem>>
        %dma_start3A = tpu.memref_slice %arg2[%add3A_18] : memref<1600000xi32, #tpu.memory_space<hbm>> -> memref<400xi32, #tpu.memory_space<hbm>>
        %dma_start3A_20 = tpu.memref_slice %arg2[%add3A_18] : memref<1600000xi32, #tpu.memory_space<hbm>> -> memref<400xi32, #tpu.memory_space<hbm>>
        tpu.enqueue_dma source(%dma_start3A_20 : memref<400xi32, #tpu.memory_space<hbm>>) target(%arg6 : memref<400xi32, #tpu.memory_space<vmem>>) target_semaphore(%run_scoped3A : memref<!tpu.dma_semaphore, #tpu.memory_space<semaphore_mem>>)
        %dma_wait3A = tpu.memref_slice %arg2[%add3A_18] : memref<1600000xi32, #tpu.memory_space<hbm>> -> memref<400xi32, #tpu.memory_space<hbm>>
        %dma_wait3A_21 = tpu.memref_slice %arg2[%add3A_18] : memref<1600000xi32, #tpu.memory_space<hbm>> -> memref<400xi32, #tpu.memory_space<hbm>>
        tpu.wait_dma2 semaphore(%run_scoped3A : memref<!tpu.dma_semaphore, #tpu.memory_space<semaphore_mem>>) src(%dma_wait3A_21 : memref<400xi32, #tpu.memory_space<hbm>>) dst(%arg6 : memref<400xi32, #tpu.memory_space<vmem>>)
        tpu.yield
      }) : () -> ()
      "tpu.region"() ({
        %run_scoped3A = tpu.sem_alloc : memref<!tpu.dma_semaphore, #tpu.memory_space<semaphore_mem>>
        %dma_start3A = arith.constant 0 : i32
        %dma_start3A_20 = arith.constant 0 : i32
        %dma_start3A_21 = tpu.memref_slice %arg8[%dma_start3A, %dma_start3A_20] : memref<50048x32xf32, #tpu.memory_space<vmem_shared>> -> memref<50048x32xf32, #tpu.memory_space<vmem_shared>>
        tpu.enqueue_indirect_dma source(%arg7 : memref<400x32xf32, #tpu.memory_space<vmem>>) target(%dma_start3A_21 : memref<50048x32xf32, #tpu.memory_space<vmem_shared>>) offsets(%arg6 : memref<400xi32, #tpu.memory_space<vmem>>) semaphore(%run_scoped3A : memref<!tpu.dma_semaphore, #tpu.memory_space<semaphore_mem>>) {add = true}
        %dma_wait3A = arith.constant 0 : i32
        %dma_wait3A_22 = arith.constant 0 : i32
        %dma_wait3A_23 = tpu.memref_slice %arg8[%dma_wait3A, %dma_wait3A_22] : memref<50048x32xf32, #tpu.memory_space<vmem_shared>> -> memref<50048x32xf32, #tpu.memory_space<vmem_shared>>
        tpu.wait_indirect_dma semaphore(%run_scoped3A : memref<!tpu.dma_semaphore, #tpu.memory_space<semaphore_mem>>) src(%arg7 : memref<400x32xf32, #tpu.memory_space<vmem>>) dst(%dma_wait3A_23 : memref<50048x32xf32, #tpu.memory_space<vmem_shared>>)
        tpu.yield
      }) : () -> ()
      %scan3A_19 = arith.constant 0 : i32
      scf.yield %scan3A_19 : i32
    }
    %scan3A_8 = arith.constant 125 : i32
    %barrier3A_9 = arith.constant 0 : index
    tpu.barrier barrier_id(%barrier3A_9)
    %mul3A_10 = arith.constant 50048 : i32
    %mul3A_11 = arith.muli %arg0, %mul3A_10 : i32
    %add3A = arith.addi %mul3A_11, %mul3A_0 : i32
    "tpu.region"() ({
      %run_scoped3A = tpu.sem_alloc : memref<!tpu.dma_semaphore, #tpu.memory_space<semaphore_mem>>
      %dma_start3A = arith.constant 0 : i32
      %dma_start3A_12 = tpu.memref_slice %arg5[%add3A, %dma_start3A] : memref<100096x32xf32, #tpu.memory_space<hbm>> -> memref<3128x32xf32, #tpu.memory_space<hbm>>
      %dma_start3A_13 = arith.constant 0 : i32
      %dma_start3A_14 = tpu.memref_slice %arg8[%mul3A_0, %dma_start3A_13] : memref<50048x32xf32, #tpu.memory_space<vmem_shared>> -> memref<3128x32xf32, #tpu.memory_space<vmem_shared>>
      tpu.enqueue_dma source(%dma_start3A_14 : memref<3128x32xf32, #tpu.memory_space<vmem_shared>>) target(%dma_start3A_12 : memref<3128x32xf32, #tpu.memory_space<hbm>>) target_semaphore(%run_scoped3A : memref<!tpu.dma_semaphore, #tpu.memory_space<semaphore_mem>>)
      %dma_wait3A = arith.constant 0 : i32
      %dma_wait3A_15 = tpu.memref_slice %arg5[%add3A, %dma_wait3A] : memref<100096x32xf32, #tpu.memory_space<hbm>> -> memref<3128x32xf32, #tpu.memory_space<hbm>>
      %dma_wait3A_16 = arith.constant 0 : i32
      %dma_wait3A_17 = tpu.memref_slice %arg8[%mul3A_0, %dma_wait3A_16] : memref<50048x32xf32, #tpu.memory_space<vmem_shared>> -> memref<3128x32xf32, #tpu.memory_space<vmem_shared>>
      tpu.wait_dma2 semaphore(%run_scoped3A : memref<!tpu.dma_semaphore, #tpu.memory_space<semaphore_mem>>) src(%dma_wait3A_17 : memref<3128x32xf32, #tpu.memory_space<vmem_shared>>) dst(%dma_wait3A_15 : memref<3128x32xf32, #tpu.memory_space<hbm>>)
      tpu.yield
    }) : () -> ()
    return
  }
}

</mosaic_0001>

<sc_bundles>
// kernel: _degrees.3.cloned.1.call-start
scs
__scs_entry_jumppad:
0x0: {  	(pc) =	sbr.rel $0x88, $3  }
0x1: {  	(tag) =	ssettag $0x0;
	lr =	simm.s32 $0x1  }
0x2: {  	[smem:$0x3F9E] =	sst lr;
	_ =	strace $0xD0000000  }
0x3: {  	_ = 	snop  }
0x4: {  	_ = 	snop  }
0x5: {  	_ = 	snop  }
0x6: {  	_ = 	snop  }
0x7: {  	_ = 	snop  }
__scs_overlays_trampoline_lowered:
0x8: {  	[smem:$0x3FAD] =	sst s0  }
0x9: {  	[smem:$0x3FAE] =	sst s1  }
0xa: {  	[smem:$0x3FAF] =	sst s2  }
0xb: {  	[smem:$0x3FB0] =	sst s3  }
0xc: {  	[smem:$0x3FB1] =	sst s4  }
0xd: {  	[smem:$0x3FB2] =	sst s5  }
0xe: {  	[smem:$0x3FB3] =	sst s6  }
0xf: {  	[smem:$0x3FB4] =	sst s7  }
0x10: {  	[smem:$0x3FB5] =	sst s8  }
0x11: {  	[smem:$0x3FB6] =	sst s9;
	s0 =	simm.s32 @!p0 $0x0  }
0x12: {  	s1 =	sld [smem:$0x3F9C];
	s0 =	simm.s32 @p0 $0x1  }
0x13: {  	[smem:$0x3FB7] =	sst s0;
	s0 =	simm.s32 @!p1 $0x0  }
0x14: {  	s2 =	sld [smem:$0x3F9B];
	s0 =	simm.s32 @p1 $0x1  }
0x15: {  	[smem:$0x3FB8] =	sst s0;
	s0 =	simm.s32 @!p2 $0x0  }
0x16: {  	s3 =	sld [smem:$0x3FDB];
	s0 =	simm.s32 @p2 $0x1  }
0x17: {  	s4 =	simm.s32 $0x1BF5;
	[smem:$0x3FBA] =	sst s0  }
0x18: {  	s0 =	sld [smem:$0x3F9D];
	_ =	swait.ge [sflag:s4], $0x0  }
0x19: {  	s7 =	sld [smem:$0x3F9E]  }
0x1a: {  	s8 =	sadd.s32 $0xFFFFE003, lr  }
0x1b: {  	s9 =	sadd.s32 $0xFFFFFEF7, lr;
	s5 =	simm.s32 $0xFFFFFFFF;
	p2 =	slt.u32 s8, $0xFFFFF086  }
0x1c: {  	p1 =	slt.u32 s9, $0xF7A;
	s5 =	simm.s32 @!p2 $0x0  }
0x1d: {  	s5 =	simm.s32 @p1 $0x1;
	p0 =	seq.s32 s7, s2  }
0x1e: {  	s7 =	smul.u32 @!p0 $0xF7A, s2;
	p2 =	seq.s32 @!p0 s5, $0x0  }
0x1f: {  	s9 =	smul.u32 $0xF7A, s1;
	s8 =	simm.s32 @!p0 $0x1BF5;
	p2 =	por !p2, p0  }
0x20: {  	[sflag:s8] =	ssyncset.s32 @!p0 $0xFFFFF086;
	s6 =	sadd.s32 @!p0 s3, s7;
	s7 =	simm.s32 @!p0 $0x108  }
0x21: {  	s3 =	sadd.s32 s3, s9;
	s6 =	sadd.s32 @!p0 $0x88, s6;
	s7 =	simm.s32 @p2 $0x1082  }
0x22: {  	[simem:s7], [sflag:s8] =	dma.local @!p0 [hbm:s6], $0xF7A  }
0x23: {  	s9 =	sor.u32 $0xD0000000, s2;
	s6 =	simm.s32 $0x108;
	_ =	swait.ge @!p0 [sflag:s8], $0x0  }
0x24: {  	s3 =	sadd.s32 $0x88, s3;
	s6 =	simm.s32 @!p1 $0x1082;
	[sflag:s4] =	ssyncset.s32 $0xFFFFF086  }
0x25: {  	[simem:s6], [sflag:s4] =	dma.local [hbm:s3], $0xF7A  }
0x26: {  	[smem:$0x3F9E] =	sst s1;
	(tag) =	ssettag s2;
	_ =	strace s9  }
0x27: {  	s1 =	sld [smem:$0x3FAE]  }
0x28: {  	s2 =	sld [smem:$0x3FAF]  }
0x29: {  	s4 =	sld [smem:$0x3FB1]  }
0x2a: {  	p0 =	seq.s32 s5, $0x0;
	s5 =	sld [smem:$0x3FB2]  }
0x2b: {  	s6 =	sld [smem:$0x3FB3]  }
0x2c: {  	s7 =	sld [smem:$0x3FB4]  }
0x2d: {  	s3 =	simm.s32 $0x108;
	s8 =	sld [smem:$0x3FB5]  }
0x2e: {  	s3 =	simm.s32 @!p0 $0x1082;
	s9 =	sld [smem:$0x3FB6]  }
0x2f: {  	lr =	sadd.s32 s0, s3;
	s0 =	sld [smem:$0x3FAD]  }
0x30: {  	s3 =	sld [smem:$0x3FB0]  }
0x31: {  	[smem:$0x3FB9] =	sst s10  }
0x32: {  	s10 =	sld [smem:$0x3FB7];
	_ =	sdelay $0x3  }
0x33: {  	p0 =	seq.s32 s10, $0x1;
	s10 =	sld [smem:$0x3FB9];
	_ =	sdelay $0x3  }
0x34: {  	[smem:$0x3FB9] =	sst s10  }
0x35: {  	s10 =	sld [smem:$0x3FB8];
	_ =	sdelay $0x3  }
0x36: {  	p1 =	seq.s32 s10, $0x1;
	s10 =	sld [smem:$0x3FB9];
	_ =	sdelay $0x3  }
0x37: {  	[smem:$0x3FB9] =	sst s10  }
0x38: {  	s10 =	sld [smem:$0x3FBA]  }
0x39: {  	_ = 	snop;
	(pc) =	sbr.ind lr, $3  }
0x3a: {  	_ = 	snop  }
0x3b: {  	_ = 	snop  }
0x3c: {  	p2 =	seq.s32 s10, $0x1;
	s10 =	sld [smem:$0x3FB9]  }
0x3d: {  	_ =	shalt  }
0x3e: {  	_ =	shalt  }
0x3f: {  	_ =	shalt  }
0x40: {  	_ =	shalt  }
0x41: {  	_ =	shalt  }
0x42: {  	_ =	shalt  }
0x43: {  	_ =	shalt  }
0x44: {  	_ =	shalt  }
0x45: {  	_ =	shalt  }
0x46: {  	_ =	shalt  }
0x47: {  	_ =	shalt  }
0x48: {  	_ =	shalt  }
0x49: {  	_ =	shalt  }
0x4a: {  	_ =	shalt  }
0x4b: {  	_ =	shalt  }
0x4c: {  	_ =	shalt  }
0x4d: {  	_ =	shalt  }
0x4e: {  	_ =	shalt  }
0x4f: {  	_ =	shalt  }
0x50: {  	_ =	shalt  }
0x51: {  	_ =	shalt  }
0x52: {  	_ =	shalt  }
0x53: {  	_ =	shalt  }
0x54: {  	_ =	shalt  }
0x55: {  	_ =	shalt  }
0x56: {  	_ =	shalt  }
0x57: {  	_ =	shalt  }
0x58: {  	_ =	shalt  }
0x59: {  	_ =	shalt  }
0x5a: {  	_ =	shalt  }
0x5b: {  	_ =	shalt  }
0x5c: {  	_ =	shalt  }
0x5d: {  	_ =	shalt  }
0x5e: {  	_ =	shalt  }
0x5f: {  	_ =	shalt  }
0x60: {  	_ =	shalt  }
0x61: {  	_ =	shalt  }
0x62: {  	_ =	shalt  }
0x63: {  	_ =	shalt  }
0x64: {  	_ =	shalt  }
0x65: {  	_ =	shalt  }
0x66: {  	_ =	shalt  }
0x67: {  	_ =	shalt  }
0x68: {  	_ =	shalt  }
0x69: {  	_ =	shalt  }
0x6a: {  	_ =	shalt  }
0x6b: {  	_ =	shalt  }
0x6c: {  	_ =	shalt  }
0x6d: {  	_ =	shalt  }
0x6e: {  	_ =	shalt  }
0x6f: {  	_ =	shalt  }
0x70: {  	_ =	shalt  }
0x71: {  	_ =	shalt  }
0x72: {  	_ =	shalt  }
0x73: {  	_ =	shalt  }
0x74: {  	_ =	shalt  }
0x75: {  	_ =	shalt  }
0x76: {  	_ =	shalt  }
0x77: {  	_ =	shalt  }
0x78: {  	_ =	shalt  }
0x79: {  	_ =	shalt  }
0x7a: {  	_ =	shalt  }
0x7b: {  	_ =	shalt  }
0x7c: {  	_ =	shalt  }
0x7d: {  	_ =	shalt  }
0x7e: {  	_ =	shalt  }
0x7f: {  	_ =	shalt  }
0x80: {  	_ =	shalt  }
0x81: {  	_ =	shalt  }
0x82: {  	_ =	shalt  }
0x83: {  	_ =	shalt  }
0x84: {  	_ =	shalt  }
0x85: {  	_ =	shalt  }
0x86: {  	_ =	shalt  }
0x87: {  	_ =	shalt  }
.Lfunc_end0:
.L_simem_size_0:
called_computation_lowered:
.L_overlay_start_0:
0x88: {  	s2 =	sld [smem:$0x3FD9]  }
0x89: {  	s3 =	sld [smem:$0x3FFE];
	_ =	sdelay $0x1  }
0x8a: {  	s1 =	srdreg.scid  }
0x8b: {  	s0 =	sand.u32 $0x1, s1  }
0x8c: {  	s17 =	sshll.u32 s0, $0xA;
	s2 =	sadd.s32 s3, s2  }
0x8d: {  	s2 =	sadd.s32 s2, s17  }
0x8e: {  	[smem:$0x3FC5] =	sst s2  }
0x8f: {  	_ = 	snop  }
0x90: {  	s2 =	sld [smem:$0x3FC9]  }
0x91: {  	s18 =	sld [smem:$0x3FD0];
	(tm) =	ssettm $0x1  }
0x92: {  	s4 =	sld [smem:$0x3FFB];
	_ =	sdelay $0x3  }
0x93: {  	_ =	strace s4  }
0x94: {  	s4 =	sld [smem:$0x3FFC];
	_ =	sdelay $0x3  }
0x95: {  	_ =	strace s4  }
0x96: {  	s4 =	sld [smem:$0x3FFD];
	_ =	sdelay $0x3  }
0x97: {  	_ =	strace s4  }
0x98: {  	_ =	strace $0x8FFFFFFF  }
0x99: {  	s19 =	sld [smem:$0x3FDB];
	_ =	sdelay $0x1  }
0x9a: {  	s5 =	simm.s32 $_scs_section_size  }
0x9b: {  	s6 =	simm.s32 $_size__tile_overlayer_lowered;
	s7 =	simm.s32 $_tile_overlayer_lowered  }
0x9c: {  	s22 =	simm.s32 $0x1BFF;
	s21 =	sshll.u32 s7, $0x1;
	s4 =	sadd.s32 s5, s19  }
0x9d: {  	s8 =	simm.s32 $0x0;
	s20 =	sshll.u32 s6, $0x1;
	s6 =	sadd.s32 s21, s4  }
0x9e: {  	[timem:s8], [sflag:s22] =	dma.local [hbm:s6], s20  }
0x9f: {  	_ =	swait.ge [sflag:s22], s20  }
0xa0: {  	s5 =	ssub.s32 $0x0, s20;
	[sflag:s22] =	ssyncset.done $0x0  }
0xa1: {  	[sflag:s22] =	ssyncadd.s32 s5;
	_ =	sdelay $0x1  }
0xa2: {  	s23 =	simm.s32 $0x1B8B  }
0xa3: {  	_ =	swait.ge [sflag:s23], $0x1  }
0xa4: {  	[sflag:s23] =	ssyncset.done $0x0  }
0xa5: {  	s25 =	simm.s32 $0x1B8E;
	s24 =	sld [smem:$0x3FFE];
	[sflag:s23] =	ssyncadd.s32 $0xFFFFFFFF  }
0xa6: {  	s26 =	simm.s32 $execute0_lowered;
	[smem:$0x3FD2] =	sst s25  }
0xa7: {  	s6 =	sshll.u32 s26, $0x1;
	_ =	strace $0x80000046;
	[dreg:$0x1] =	wrdreg $0xFFFFFFFF  }
0xa8: {  	s28 =	simm.s32 $_size_execute0_lowered;
	s4 =	sadd.s32 s4, s6;
	[dreg:$0x0] =	wrdreg $0x0  }
0xa9: {  	s6 =	sshll.u32 s28, $0x1;
	[dreg:$0x2] =	wrdreg s4  }
0xaa: {  	[dreg:$0x3] =	wrdreg s6  }
0xab: {  	[dreg:$0x4] =	wrdreg $0xC0  }
0xac: {  	_ =	task [dreg:s8], $0x5FFFF  }
0xad: {  	[dreg:$0x1] =	wrdreg $0xFFFFFFFF  }
0xae: {  	[dreg:$0x0] =	wrdreg $0x60  }
0xaf: {  	[dreg:$0x2] =	wrdreg s2  }
0xb0: {  	[dreg:$0x3] =	wrdreg s24  }
0xb1: {  	[dreg:$0x4] =	wrdreg s18  }
0xb2: {  	[dreg:$0x5] =	wrdreg $0x33900  }
0xb3: {  	[dreg:$0x6] =	wrdreg $0x9  }
0xb4: {  	_ =	task.clear_ibuf [dreg:s8], $0x7FFFF;
	_ =	strace $0x90000046  }
0xb5: {  	s29 =	simm.s32 $0x9;
	_ =	strace $0x80000048  }
0xb6: {  	_ =	swait.ge [sflag:s29], $0x1  }
0xb7: {  	[sflag:s29] =	ssyncadd.s32 $0xFFFFFFFF  }
0xb8: {  	_ =	strace $0x90000048  }
0xb9: {  	_ =	sfence  }
0xba: {  	s30 =	sld [smem:$0x0];
	_ =	sdelay $0x2  }
0xbb: {  	s31 =	sshll.u32 s1, $0xD;
	s1 =	sshrl.u32 s1, $0x2  }
0xbc: {  	s3 =	sand.u32 $0x4000, s31;
	s1 =	sadd.s32 s1, s30  }
0xbd: {  	s0 =	sor.u32 s3, s0;
	s1 =	sshll.u32 s1, $0x11  }
0xbe: {  	s0 =	sor.u32 s1, s0  }
0xbf: {  	s0 =	sadd.s32 $0x8F2B, s0  }
0xc0: {  	[sflag:s0] =	ssyncadd.remote.s32 $0x1  }
0xc1: {  	_ =	sfence.sel $0xFFFF  }
0xc2: {  	[dreg:$0x0] =	wrdreg $0xFFFFFFFF;
	(pc) =	sbr.abs _section_cstart, $3  }
0xc3: {  	[dreg:$0x1] =	wrdreg $0xFFFFFFFF  }
0xc4: {  	_ =	task.clear_ibuf [dreg:s8], $0x2FFFF;
	_ =	strace $0x9FFFFFFF  }
0xc5: {  	(tm) =	ssettm $0x7FFFFFFF  }
tec
execute0_lowered:
.L_overlay_start_1:
0x0: {  	(tag) =	ssettag $0x1  }
0x1: {  	s8 =	rddreg [dreg:$0x0]  }
0x2: {  	s4 =	rddreg [dreg:$0x1]  }
0x3: {  	s7 =	rddreg [dreg:$0x2]  }
0x4: {  	s2 =	rddreg [dreg:$0x3];
	s1 =	stileid.u32  }
0x5: {  	s0 =	rddreg [dreg:$0x4];
	s5 =	smul.u32 $0x18700, s1  }
0x6: {  	s3 =	simm.s32 $0x0;
	s6 =	srdreg.scid;
	s11 =	smul.u32 $0x30E0, s1  }
0x7: {  	[smem:$0x7FF] =	sst s3;
	s6 =	sand.u32 $0x1, s6;
	s13 =	smul.u32 $0x186A, s1  }
0x8: {  	s30 =	sshll.u32 s1, $0x6;
	_ =	strace $0x80000047;
	s10 =	ssub.s32 $0x2, s6  }
0x9: {  	s6 =	smul.u32 $0x30E00, s6;
	s9 =	sshrl.u32 s5, $0x3;
	s12 =	sshrl.u32 s10, $0x1  }
0xa: {  	s29 =	sadd.s32 s5, s2;
	s31 =	sadd.s32 s13, s8;
	s13 =	simm.s32 $0x0  }
0xb: {  	s9 =	sadd.s32 s9, s4;
	s4 =	sadd.s32 $0x400, s4;
	s10 =	ssub.s32 s10, s12  }
0xc: {  	s11 =	sadd.s32 s11, s6;
	s6 =	sor.u32 $0x1C01, s30;
	s12 =	simm.s32 $0x190  }
0xd: {  	s5 =	sadd.s32 $0xC00, s9;
	s7 =	sadd.s32 s7, s11;
	s8 =	smax.u32 s10, $0x1  }
0xe: {  	s9 =	sadd.s32 $0x186A0, s31;
	s10 =	sshrl.u32 s29, $0x3;
	s11 =	simm.s32 $0x1  }
.LBB2_1:
0xf: {  	[spmem:s10], [sflag:s6] =	dma.local [hbm:s5], $0x30E0  }
0x10: {  	_ =	swait.ge [sflag:s11], $0x30E0  }
0x11: {  	[sflag:s11] =	ssyncset.done $0x0  }
0x12: {  	[sflag:s11] =	ssyncadd.s32 $0xFFFFCF20  }
0x13: {  	[bflag:$0x0] =	sbarrier.arrive $0xFFFF  }
0x14: {  	[tilespmem:s12], [sflag:$0x1] =	stream.linear.gather [hbm4b:s4+s3], $0x3200, $0x38;
	[tilespmem:$0x1BA90] =	vst v63  }
0x15: {  	_ =	swait.ge [sflag:s11], $0x3200  }
0x16: {  	[sflag:s11] =	ssyncset.done $0x0  }
0x17: {  	s14 =	sadd.s32 $0x0, s9;
	[sflag:s11] =	ssyncadd.s32 $0xFFFFCE00  }
0x18: {  	[tilespmem:s3], [sflag:$0x1] =	stream.linear.gather [hbm4b:s14+s3], $0x190, $0x38;
	[tilespmem:$0x1BA90] =	vst v63  }
0x19: {  	_ =	swait.ge [sflag:s11], $0x190  }
0x1a: {  	[sflag:s11] =	ssyncset.done $0x0  }
0x1b: {  	[sflag:s11] =	ssyncadd.s32 $0xFFFFFE70  }
0x1c: {  	[spmem:s2] =	stream.indirect.scatter.add.f32 [tilespmem:s12], [sflag:$0x1], $0x20, s3, s12, $0xb8;
	[tilespmem:$0x1BA90] =	vst v63  }
0x1d: {  	_ =	swait.ge [sflag:s11], $0x3200  }
0x1e: {  	s15 =	simm.s32 $0x64;
	s14 =	simm.s32 $0x32;
	[sflag:s11] =	ssyncset.done $0x0  }
.LBB2_2:
0x1f: {  	s16 =	sadd.s32 s14, s9  }
0x20: {  	[sflag:s11] =	ssyncadd.s32 $0xFFFFCE00;
	s14 =	smov.u32 s15;
	s17 =	sadd.s32 $0x32, s15  }
0x21: {  	[tilespmem:s3], [sflag:$0x1] =	stream.linear.gather [hbm4b:s16+s3], $0x190, $0x38;
	[tilespmem:$0x1BA90] =	vst v63  }
0x22: {  	p0 =	sne.s32 s15, $0x1838;
	_ =	swait.ge [sflag:s11], $0x190  }
.Ltmp0:
0x23: {  	[sflag:s11] =	ssyncset.done $0x0;
	(pc) =	sbr.rel @p0 .LBB2_2-.Ltmp0, $4  }
0x24: {  	[sflag:s11] =	ssyncadd.s32 $0xFFFFFE70  }
0x25: {  	[spmem:s2] =	stream.indirect.scatter.add.f32 [tilespmem:s12], [sflag:$0x1], $0x20, s3, s12, $0xb8;
	[tilespmem:$0x1BA90] =	vst v63  }
0x26: {  	_ =	swait.ge [sflag:s11], $0x3200  }
0x27: {  	s15 =	smov.u32 s17;
	[sflag:s11] =	ssyncset.done $0x0  }
0x28: {  	s14 =	sadd.s32 s14, s9;
	[sflag:s11] =	ssyncadd.s32 $0xFFFFCE00  }
0x29: {  	[tilespmem:s3], [sflag:$0x1] =	stream.linear.gather [hbm4b:s14+s3], $0x190, $0x38;
	[tilespmem:$0x1BA90] =	vst v63  }
0x2a: {  	_ =	swait.ge [sflag:s11], $0x190  }
0x2b: {  	[sflag:s11] =	ssyncset.done $0x0  }
0x2c: {  	[sflag:s11] =	ssyncadd.s32 $0xFFFFFE70  }
0x2d: {  	[spmem:s2] =	stream.indirect.scatter.add.f32 [tilespmem:s12], [sflag:$0x1], $0x20, s3, s12, $0xb8;
	[tilespmem:$0x1BA90] =	vst v63  }
0x2e: {  	_ =	swait.ge [sflag:s11], $0x3200  }
0x2f: {  	s13 =	sadd.s32 $0x1, s13;
	[sflag:s11] =	ssyncset.done $0x0  }
0x30: {  	p0 =	sne.s32 s13, s8;
	[sflag:s11] =	ssyncadd.s32 $0xFFFFCE00  }
.Ltmp1:
0x31: {  	[bflag:$0x0] =	sbarrier.arrive $0xFFFF;
	(pc) =	sbr.rel @p0 .LBB2_1-.Ltmp1, $4  }
0x32: {  	[hbm:s7], [sflag:s6] =	dma.local [spmem:s10], $0x30E0  }
0x33: {  	_ =	swait.ge [sflag:s11], $0x30E0  }
0x34: {  	[sflag:s11] =	ssyncset.done $0x0  }
0x35: {  	[sflag:s11] =	ssyncadd.s32 $0xFFFFCF20  }
0x36: {  	_ =	sfence.sel $0x180000  }
0x37: {  	[bflag:$0x0] =	sbarrier.arrive $0xFFFF  }
0x38: {  	p0 =	sne.s32 s1, $0x0;
	_ =	strace $0x90000047  }
0x39: {  	s0 =	sadd.s32 @!p0 $0x100000, s0;
	[bflag:$0x2] =	sbarrier.arrive $0xFFFF  }
0x3a: {  	[sflag:s0] =	ssyncadd.tile.s32 @!p0 $0x1;
	_ =	shalt  }
.Lfunc_end2:
_tile_overlayer_lowered:
.L_overlay_start_2:
0x3b: {  	(tag) =	ssettag $0x2  }
0x3c: {  	s0 =	rddreg [dreg:$0x0];
	s2 =	stileid.u32  }
0x3d: {  	s1 =	rddreg [dreg:$0x1];
	p0 =	sne.s32 s2, $0x0  }
0x3e: {  	s3 =	rddreg [dreg:$0x2];
	[bflag:$0x3] =	sbarrier.arrive $0xFFFF;
	s2 =	simm.s32 @!p0 $0x1C01  }
0x3f: {  	[timem:s3], [sflag:s2] =	dma.local @!p0 [hbm:s0], s1  }
0x40: {  	s0 =	simm.s32 @!p0 $0x1  }
0x41: {  	_ =	swait.ge @!p0 [sflag:s0], s1  }
0x42: {  	s1 =	ssub.s32 @!p0 $0x0, s1;
	[sflag:s0] =	ssyncset.done @!p0 $0x0  }
0x43: {  	[sflag:s0] =	ssyncadd.s32 @!p0 s1  }
0x44: {  	[bflag:$0x3] =	sbarrier.arrive $0xFFFF  }
0x45: {  	_ =	shalt  }

</sc_bundles>
